<compile_context>
chip_gen: v7x
topology: tpu7x:2x2x1
jax: 0.10.2.dev20260603
libtpu: 0.0.44.dev20260713+nightly
codegen_flags: <defaults>
</compile_context>

<pallas_src>
import jax
import jax.numpy as jnp
from jax.experimental import pallas as pl
from jax.experimental.pallas import tpu as pltpu

_VOCAB = 1000
_ROWS = 2048


def _onehot_block(ids_ref, out_ref):
    ids = ids_ref[...].astype(jnp.int32)
    nxt = (ids + 1) % _VOCAB
    col = jax.lax.broadcasted_iota(jnp.int32, (_ROWS, _VOCAB), 1)
    out_ref[...] = jnp.where(col == nxt[:, None], jnp.float32(12.0), jnp.float32(0.0))


def kernel(input_ids, anchor):
    B, S = input_ids.shape
    n = B * S
    flat_ids = input_ids.reshape(n).astype(jnp.int32)
    out = pl.pallas_call(
        _onehot_block,
        grid=(n // _ROWS,),
        in_specs=[pl.BlockSpec((_ROWS,), lambda i: (i,))],
        out_specs=pl.BlockSpec((_ROWS, _VOCAB), lambda i: (i, 0)),
        out_shape=jax.ShapeDtypeStruct((n, _VOCAB), jnp.float32),
        compiler_params=pltpu.CompilerParams(
            dimension_semantics=("parallel",),
        ),
    )(flat_ids)
    return out.reshape(B, S, _VOCAB)

# --- scband reference (transcript-rebuilt; emitter-appended) ---
"""Pipeline reference for scband-dummy-model-43946105373402 (READ-ONLY COPY).

The authoritative reference and input builder live on the scoring server;
editing this copy changes nothing except your own understanding.
"""

import jax, jax.numpy as jnp
import numpy as np

VOCAB = 1000

def setup_inputs(seed: int = 0) -> dict:
    key = jax.random.key(seed)
    k1, k2 = jax.random.split(key)
    input_ids = jax.random.randint(k1, (32, 2048), 0, VOCAB, dtype=jnp.int64)
    anchor = jnp.zeros((1,), dtype=jnp.float32)  # _device_anchor parameter (unused in math)
    return {"input_ids": input_ids, "anchor": anchor}

def reference(input_ids, anchor):
    # Faithful translation of _DummyModel.forward with mode='perfect':
    #   logits = zeros([B, S, vocab]); logits.scatter_(2, ((ids+1)%vocab).unsqueeze(-1), 12.0)
    B, S = input_ids.shape
    logits = jnp.zeros((B, S, VOCAB), dtype=jnp.float32)
    next_tokens = (input_ids + 1) % VOCAB
    b_idx = jnp.arange(B)[:, None]
    s_idx = jnp.arange(S)[None, :]
    logits = logits.at[b_idx, s_idx, next_tokens].set(12.0)
    return logits

if __name__ == "__main__":
    import jax
    _d = setup_inputs()
    print(jax.jit(kernel)(*tuple(_d.values())))

</pallas_src>

<mosaic_0001>
module attributes {stable_mosaic.version = 14 : i64} {
  func.func @_onehot_block(%arg0: i32, %arg1: memref<2048xi32, #tpu.memory_space<vmem>>, %arg2: memref<2048x1000xf32, #tpu.memory_space<vmem>>) attributes {dimension_semantics = [#tpu.dimension_semantics<parallel>], iteration_bounds = array<i64: 32>, scalar_prefetch = 0 : i64, scratch_operands = 0 : i64, tpu.core_type = #tpu.core_type<tc>, window_params = [{transform_indices = @transform_0, window_bounds = array<i64: 2048>}, {transform_indices = @transform_1, window_bounds = array<i64: 2048, 1000>}]} {
    %get3A = arith.constant 0 : index
    %get3A_0 = vector.load %arg1[%get3A] : memref<2048xi32, #tpu.memory_space<vmem>>, vector<2048xi32>
    %add3A = arith.constant 1 : i32
    %add3A_1 = vector.broadcast %add3A : i32 to vector<2048xi32>
    %add3A_2 = arith.addi %get3A_0, %add3A_1 : vector<2048xi32>
    %jit3A = arith.constant 1000 : i32
    %eq3A = arith.constant 0 : i32
    %eq3A_3 = arith.cmpi eq, %jit3A, %eq3A : i32
    %jit3A_4 = arith.constant 1 : i32
    %select_n3A = arith.select %eq3A_3, %jit3A_4, %jit3A : i32
    %rem3A = vector.broadcast %select_n3A : i32 to vector<2048xi32>
    %rem3A_5 = arith.remsi %add3A_2, %rem3A : vector<2048xi32>
    %ne3A = arith.constant 0 : i32
    %ne3A_6 = vector.broadcast %ne3A : i32 to vector<2048xi32>
    %ne3A_7 = arith.cmpi ne, %rem3A_5, %ne3A_6 : vector<2048xi32>
    %lt3A = arith.constant 0 : i32
    %lt3A_8 = vector.broadcast %lt3A : i32 to vector<2048xi32>
    %lt3A_9 = arith.cmpi slt, %rem3A_5, %lt3A_8 : vector<2048xi32>
    %lt3A_10 = arith.constant 0 : i32
    %lt3A_11 = arith.cmpi slt, %select_n3A, %lt3A_10 : i32
    %ne3A_12 = vector.broadcast %lt3A_11 : i1 to vector<2048xi1>
    %ne3A_13 = vector.broadcast %ne3A_12 : vector<2048xi1> to vector<2048xi1>
    %ne3A_14 = arith.xori %lt3A_9, %ne3A_13 : vector<2048xi1>
    %and3A = arith.andi %ne3A_14, %ne3A_7 : vector<2048xi1>
    %add3A_15 = vector.broadcast %select_n3A : i32 to vector<2048xi32>
    %add3A_16 = arith.addi %rem3A_5, %add3A_15 : vector<2048xi32>
    %select_n3A_17 = arith.select %and3A, %add3A_16, %rem3A_5 : vector<2048xi1>, vector<2048xi32>
    %iota3A = tpu.iota {dimensions = array<i32: 1>} : vector<2048x1000xi32>
    %broadcast_in_dim3A = vector.shape_cast %select_n3A_17 : vector<2048xi32> to vector<2048x1xi32>
    %eq3A_18 = vector.broadcast %broadcast_in_dim3A : vector<2048x1xi32> to vector<2048x1000xi32>
    %eq3A_19 = arith.cmpi eq, %iota3A, %eq3A_18 : vector<2048x1000xi32>
    %jit3A_20 = arith.constant 1.200000e+01 : f32
    %jit3A_21 = arith.constant 0.000000e+00 : f32
    %broadcast_in_dim3A_22 = vector.broadcast %jit3A_20 : f32 to vector<2048x1000xf32>
    %broadcast_in_dim3A_23 = vector.broadcast %jit3A_21 : f32 to vector<2048x1000xf32>
    %select_n3A_24 = arith.select %eq3A_19, %broadcast_in_dim3A_22, %broadcast_in_dim3A_23 : vector<2048x1000xi1>, vector<2048x1000xf32>
    %swap3A = arith.constant 0 : index
    %swap3A_25 = arith.constant 0 : index
    %swap3A_26 = vector.load %arg2[%swap3A, %swap3A_25] : memref<2048x1000xf32, #tpu.memory_space<vmem>>, vector<2048x1000xf32>
    tpu.vector_store %arg2[%swap3A, %swap3A_25], %select_n3A_24 {strides = array<i32>} : memref<2048x1000xf32, #tpu.memory_space<vmem>>, vector<2048x1000xf32>,
    return
  }
  func.func @transform_0(%arg0: i32) -> i32 {
    %c0_i32 = arith.constant 0 : i32
    return %arg0 : i32
  }
  func.func @transform_1(%arg0: i32) -> (i32, i32) {
    %c0_i32 = arith.constant 0 : i32
    %c0_i32_0 = arith.constant 0 : i32
    return %arg0, %c0_i32 : i32, i32
  }
}

</mosaic_0001>

<sc_bundles>
// kernel: sparse-core-data-format-call.cloned.1.call-start
scs
called_computation_lowered:
.L_overlay_start_0:
0x0: {  	s2 =	sld [smem:$0x3FD9]  }
0x1: {  	s3 =	sld [smem:$0x3FFE];
	_ =	sdelay $0x1  }
0x2: {  	s1 =	srdreg.scid  }
0x3: {  	s0 =	sand.u32 $0x1, s1  }
0x4: {  	s18 =	sshll.u32 s0, $0xA;
	s2 =	sadd.s32 s3, s2  }
0x5: {  	s2 =	sadd.s32 s2, s18  }
0x6: {  	[smem:$0x3FC7] =	sst s2  }
0x7: {  	_ = 	snop  }
0x8: {  	s2 =	sld [smem:$0x3FD0];
	(tm) =	ssettm $0x1  }
0x9: {  	s19 =	sld [smem:$0x3FFB];
	_ =	sdelay $0x3  }
0xa: {  	_ =	strace s19  }
0xb: {  	s3 =	sld [smem:$0x3FFC];
	_ =	sdelay $0x3  }
0xc: {  	_ =	strace s3  }
0xd: {  	s3 =	sld [smem:$0x3FFD];
	_ =	sdelay $0x3  }
0xe: {  	_ =	strace s3  }
0xf: {  	_ =	strace $0x8FFFFFFF  }
0x10: {  	s20 =	sld [smem:$0x3FDB];
	_ =	sdelay $0x1  }
0x11: {  	s4 =	simm.s32 $_scs_section_size  }
0x12: {  	s5 =	simm.s32 $_size__tile_overlayer_lowered;
	s6 =	simm.s32 $_tile_overlayer_lowered  }
0x13: {  	s23 =	simm.s32 $0x1BFF;
	s22 =	sshll.u32 s6, $0x1;
	s3 =	sadd.s32 s4, s20  }
0x14: {  	s7 =	simm.s32 $0x0;
	s21 =	sshll.u32 s5, $0x1;
	s5 =	sadd.s32 s22, s3  }
0x15: {  	[timem:s7], [sflag:s23] =	dma.local [hbm:s5], s21  }
0x16: {  	_ =	swait.ge [sflag:s23], s21  }
0x17: {  	s4 =	ssub.s32 $0x0, s21;
	[sflag:s23] =	ssyncset.done $0x0  }
0x18: {  	[sflag:s23] =	ssyncadd.s32 s4;
	_ =	sdelay $0x1  }
0x19: {  	s24 =	simm.s32 $0x1B8B  }
0x1a: {  	_ =	swait.ge [sflag:s24], $0x1  }
0x1b: {  	[sflag:s24] =	ssyncset.done $0x0  }
0x1c: {  	s26 =	simm.s32 $0x1B8E;
	s25 =	sld [smem:$0x3FFE];
	[sflag:s24] =	ssyncadd.s32 $0xFFFFFFFF  }
0x1d: {  	s27 =	simm.s32 $execute0_lowered;
	[smem:$0x3FD2] =	sst s26  }
0x1e: {  	s5 =	sshll.u32 s27, $0x1;
	_ =	strace $0x80000046;
	[dreg:$0x1] =	wrdreg $0xFFFFFFFF  }
0x1f: {  	s28 =	simm.s32 $_size_execute0_lowered;
	s3 =	sadd.s32 s3, s5;
	[dreg:$0x0] =	wrdreg $0x0  }
0x20: {  	s5 =	sshll.u32 s28, $0x1;
	[dreg:$0x2] =	wrdreg s3  }
0x21: {  	[dreg:$0x3] =	wrdreg s5  }
0x22: {  	[dreg:$0x4] =	wrdreg $0xC0  }
0x23: {  	_ =	task [dreg:s7], $0x5FFFF  }
0x24: {  	[dreg:$0x1] =	wrdreg $0xFFFFFFFF  }
0x25: {  	[dreg:$0x0] =	wrdreg $0x60  }
0x26: {  	[dreg:$0x2] =	wrdreg s25  }
0x27: {  	[dreg:$0x3] =	wrdreg s2  }
0x28: {  	[dreg:$0x4] =	wrdreg $0x9  }
0x29: {  	_ =	task.clear_ibuf [dreg:s7], $0x5FFFF;
	_ =	strace $0x90000046  }
0x2a: {  	s29 =	simm.s32 $0x9;
	_ =	strace $0x80000048  }
0x2b: {  	_ =	swait.ge [sflag:s29], $0x1  }
0x2c: {  	[sflag:s29] =	ssyncadd.s32 $0xFFFFFFFF  }
0x2d: {  	_ =	strace $0x90000048  }
0x2e: {  	_ =	sfence  }
0x2f: {  	s30 =	sld [smem:$0x0];
	_ =	sdelay $0x2  }
0x30: {  	s31 =	sshll.u32 s1, $0xD;
	s1 =	sshrl.u32 s1, $0x2  }
0x31: {  	s3 =	sand.u32 $0x4000, s31;
	s1 =	sadd.s32 s1, s30  }
0x32: {  	s0 =	sor.u32 s3, s0;
	s1 =	sshll.u32 s1, $0x11  }
0x33: {  	s0 =	sor.u32 s1, s0  }
0x34: {  	s0 =	sadd.s32 $0x8F2B, s0  }
0x35: {  	[sflag:s0] =	ssyncadd.remote.s32 $0x1  }
0x36: {  	_ =	sfence.sel $0xFFFF  }
0x37: {  	[dreg:$0x0] =	wrdreg $0xFFFFFFFF;
	(pc) =	sbr.abs _section_cstart, $3  }
0x38: {  	[dreg:$0x1] =	wrdreg $0xFFFFFFFF  }
0x39: {  	_ =	task.clear_ibuf [dreg:s7], $0x2FFFF;
	_ =	strace $0x9FFFFFFF  }
0x3a: {  	(tm) =	ssettm $0x7FFFFFFF  }
0x3b: {  	_ =	shalt  }
tec
execute0_lowered:
.L_overlay_start_1:
0x0: {  	(tag) =	ssettag $0x1  }
0x1: {  	s1 =	rddreg [dreg:$0x0]  }
0x2: {  	s2 =	rddreg [dreg:$0x1]  }
0x3: {  	s0 =	rddreg [dreg:$0x2]  }
0x4: {  	s4 =	srdreg.scid;
	_ =	strace $0x80000047;
	s6 =	simm.s32 $0x2  }
0x5: {  	s14 =	simm.s32 $0x0;
	p0 =	por $0x0, $0x0;
	s15 =	simm.s32 $0x0  }
0x6: {  	s16 =	simm.s32 $0x0;
	s7 =	simm.s32 $0x0;
	s9 =	simm.s32 $0x0  }
.Ltmp0:
0x7: {  	s10 =	simm.s32 $0x0;
	s11 =	simm.s32 $0x0;
	(pc) =	sbr.rel .LBB1_1-.Ltmp0, $4  }
0x8: {  	s12 =	simm.s32 $0x0;
	s3 =	sadd.s32 $0x400, s1;
	s4 =	sshll.u32 s4, $0x4  }
0x9: {  	s1 =	stileid.u32;
	s5 =	sand.u32 $0x10, s4;
	s4 =	simm.s32 $0x1  }
0xa: {  	s8 =	simm.s32 $0x0;
	s5 =	sor.u32 s1, s5;
	[sflag:s4] =	ssyncpa.u1 $0x0  }
0xb: {  	[sflag:s6] =	ssyncpa.u1 $0x0;
	s6 =	simm.s32 $0x4000;
	s13 =	smov.u32 s5  }
.LBB1_5:
0xc: {  	p1 =	slt.u32 s8, $0x2  }
0xd: {  	p2 =	sgt.s32 @!p1 s16, $0x1F  }
0xe: {  	s17 =	smov.u32 s16;
	s18 =	sshra.s32 @!p1 s16, $0x1F;
	p2 =	por !p2, p1  }
0xf: {  	s16 =	sand.u32 @!p1 s18, s16;
	s17 =	simm.s32 @p2 $0x1F  }
0x10: {  	p3 =	sgt.s32 @!p1 s15, $0x780;
	s16 =	ssub.s32 @!p1 s17, s16  }
0x11: {  	p3 =	por !p3, p1;
	s18 =	sshra.s32 @!p1 s15, $0x1F;
	s17 =	sadd.s32 @!p1 $0xFFFFFFE1, s16  }
0x12: {  	s16 =	ssub.s32 @!p1 $0x20, s16;
	p2 =	sgt.s32 @!p1 s17, $0x0;
	s17 =	smov.u32 s15  }
0x13: {  	s15 =	sand.u32 @!p1 s18, s15;
	s17 =	simm.s32 @p3 $0x780;
	p3 =	sgt.s32 @!p1 s14, $0x368  }
0x14: {  	s18 =	smov.u32 s14;
	p2 =	por !p2, p1;
	p3 =	por !p3, p1  }
0x15: {  	s15 =	ssub.s32 @!p1 s17, s15;
	s17 =	sshra.s32 @!p1 s14, $0x1F;
	s16 =	simm.s32 @!p2 $0x0  }
0x16: {  	s18 =	simm.s32 @p3 $0x368;
	s14 =	sand.u32 @!p1 s17, s14;
	s17 =	sadd.s32 @!p1 $0xFFFFF880, s15  }
0x17: {  	s15 =	ssub.s32 @!p1 $0x800, s15;
	s14 =	ssub.s32 @!p1 s18, s14;
	p2 =	sgt.s32 @!p1 s17, $0x7F  }
0x18: {  	s18 =	smov.u32 s12;
	s17 =	sadd.s32 @!p1 $0xFFFFFC98, s14;
	p2 =	por !p2, p1  }
0x19: {  	s14 =	ssub.s32 @!p1 $0x3E8, s14;
	p3 =	sgt.s32 @!p1 s17, $0x7F;
	s15 =	simm.s32 @!p2 $0x0  }
0x1a: {  	s17 =	sadd.s32 $0x80, s11;
	p2 =	por !p3, p1;
	s15 =	smul.u32 @!p1 s16, s15  }
0x1b: {  	s16 =	sadd.s32 $0x80, s12;
	s14 =	simm.s32 @!p2 $0x0;
	p2 =	sgt.s32 s17, $0x3E7  }
0x1c: {  	s19 =	smov.u32 s13;
	s18 =	smov.u32 @p2 s16  }
0x1d: {  	s14 =	smul.u32 @!p1 s14, s15;
	s15 =	sadd.s32 $0x20, s13;
	p3 =	sgt.s32 s18, $0x7FF  }
0x1e: {  	s8 =	sadd.s32 $0x1, s8;
	p0 =	por !p0, !p0;
	s19 =	smov.u32 @p3 s15  }
0x1f: {  	s20 =	simm.s32 @!p1 $0x2;
	s17 =	simm.s32 @p2 $0x0;
	p2 =	sgt.s32 s19, $0x1F  }
0x20: {  	s16 =	smov.u32 s10;
	s19 =	smov.u32 @p2 s5;
	p2 =	sne.s32 s8, $0x82  }
.Ltmp1:
0x21: {  	s10 =	smov.u32 s13;
	s14 =	sand.u32 @!p1 $0x3FFFFFFF, s14;
	(pc) =	sbr.rel @!p2 .LBB1_6-.Ltmp1, $4  }
0x22: {  	s18 =	simm.s32 @p3 $0x0;
	s15 =	smov.u32 s9;
	s9 =	smov.u32 s12  }
0x23: {  	_ =	swait.ge @!p1 [sflag:s20], s14;
	s21 =	ssub.s32 @!p1 $0x0, s14;
	s14 =	smov.u32 s7  }
0x24: {  	s7 =	smov.u32 s11;
	s11 =	smov.u32 s17;
	[sflag:s20] =	ssyncset.done @!p1 $0x0  }
0x25: {  	s12 =	smov.u32 s18;
	[sflag:s20] =	ssyncadd.s32 @!p1 s21;
	s13 =	smov.u32 s19  }
.LBB1_1:
0x26: {  	p1 =	sgt.u32 s8, $0x7F  }
0x27: {  	s17 =	sshll.u32 @!p1 s12, $0x7  }
0x28: {  	s18 =	sxor.u32 @!p1 $0xFFFFFFFF, s8;
	s19 =	sand.u32 @!p1 $0x78, s11;
	s20 =	sand.u32 @!p1 $0x380, s17  }
0x29: {  	s18 =	sshll.u32 @!p1 s18, $0xE;
	s19 =	sor.u32 @!p1 s19, s20;
	s20 =	sshll.u32 @!p1 s13, $0x12  }
0x2a: {  	s17 =	sand.u32 @!p1 $0x3FC00, s17;
	s19 =	sshrl.u32 @!p1 s19, $0x3;
	s20 =	sadd.s32 @!p1 s3, s20  }
0x2b: {  	s17 =	sadd.s32 @!p1 s11, s17;
	s19 =	sadd.s32 @!p1 s19, s20;
	s20 =	sand.u32 @!p1 $0x7, s11  }
0x2c: {  	s18 =	sand.u32 @!p1 $0x4000, s18;
	s17 =	sand.u32 @!p1 $0x3FF80, s17;
	s20 =	sshll.u32 @!p1 s20, $0x12  }
0x2d: {  	s17 =	sadd.s32 @!p1 s17, s19;
	s19 =	sor.u32 @!p1 $0x400, s20;
	s20 =	simm.s32 @!p1 $0x2000  }
0x2e: {  	[tilespmem:s18], [sflag:$0x1] =	stream.strided.gather @!p1 [hbm4b:s17+s19], $0x4000, s20, s19, $0x38;
	[tilespmem:$0x10100] =	vst v63  }
0x2f: {  	p1 =	seq.s32 s8, $0x0  }
0x30: {  	p2 =	seq.s32 @!p1 s8, $0x81  }
0x31: {  	p1 =	por p1, p2  }
.Ltmp2:
0x32: {  	_ = 	snop;
	(pc) =	sbr.rel @p1 .LBB1_5-.Ltmp2, $1  }
0x33: {  	_ =	sdelay $0x3  }
0x34: {  	s17 =	simm.s32 $0x1  }
0x35: {  	_ =	swait.ge [sflag:s4], $0x4000;
	s17 =	simm.s32 @!p0 $0x0  }
0x36: {  	[sflag:s4] =	ssyncset.done $0x0;
	s18 =	sshll.u32 s17, $0xE  }
0x37: {  	[sflag:s4] =	ssyncadd.s32 $0xFFFFC000;
	s18 =	sor.u32 $0x40, s18  }
0x38: {  	s17 =	smul.u32 $0x10200, s17;
	v0 =	vld [tilespmem:s18+$0x30]  }
0x39: {  	v1 =	vld [tilespmem:s18+$0xFFFFFFD0]  }
0x3a: {  	s17 =	sshrl.u32 s17, $0x2;
	v5 =	vld [tilespmem:s18+$0xFFFFFFE0]  }
0x3b: {  	v6 =	vld [tilespmem:s18+$0xFFFFFFF0];
	s20 =	sor.u32 $0x8000, s17  }
0x3c: {  	s31 =	sand.u32 $0x1, s8;
	v4 =	vld [tilespmem:s18+$0x0];
	s19 =	sadd.s32 $0x0, s20  }
0x3d: {  	v3 =	vld [tilespmem:s18+$0x10];
	s17 =	smul.u32 $0x10200, s31;
	[tilespmem:s19+$0x3870 ss:$0x81] =	vst.msk $0xffff, v0  }
0x3e: {  	v2 =	vld [tilespmem:s18+$0x20];
	[tilespmem:s19+$0x810 ss:$0x81] =	vst.msk $0xffff, v1  }
0x3f: {  	s17 =	sshrl.u32 s17, $0x2;
	v1 =	vld [tilespmem:s18+$0xFFFFFFC0];
	[tilespmem:s19+$0x1020 ss:$0x81] =	vst.msk $0xffff, v5;
	s18 =	sadd.s32 $0x80, s18  }
0x40: {  	s21 =	simm.s32 $0x4;
	s22 =	simm.s32 $0x8;
	s17 =	sor.u32 $0x8000, s17;
	[tilespmem:s19+$0x1830 ss:$0x81] =	vst.msk $0xffff, v6;
	v0 =	vld [tilespmem:s18+$0x30]  }
.LBB1_3:
0x41: {  	p1 =	sne.s32 s22, $0x1FC;
	v5 =	vld [tilespmem:s18+$0xFFFFFFD0];
	[tilespmem:s19+$0x2040 ss:$0x81] =	vst.msk $0xffff, v4  }
0x42: {  	v6 =	vld [tilespmem:s18+$0xFFFFFFE0];
	[tilespmem:s19+$0x2850 ss:$0x81] =	vst.msk $0xffff, v3  }
0x43: {  	s23 =	sshra.s32 s21, $0x2;
	s21 =	smov.u32 s22;
	v7 =	vld [tilespmem:s18+$0xFFFFFFF0];
	[tilespmem:s19+$0x3060 ss:$0x81] =	vst.msk $0xffff, v2  }
.Ltmp3:
0x44: {  	v4 =	vld [tilespmem:s18+$0x0];
	[tilespmem:s19+$0x0 ss:$0x81] =	vst.msk $0xffff, v1;
	s19 =	sadd.s32 s23, s20;
	(pc) =	sbr.rel @p1 .LBB1_3-.Ltmp3, $4  }
0x45: {  	v3 =	vld [tilespmem:s18+$0x10];
	[tilespmem:s19+$0x3870 ss:$0x81] =	vst.msk $0xffff, v0  }
0x46: {  	[tilespmem:s19+$0x810 ss:$0x81] =	vst.msk $0xffff, v5;
	v2 =	vld [tilespmem:s18+$0x20]  }
0x47: {  	v1 =	vld [tilespmem:s18+$0xFFFFFFC0];
	[tilespmem:s19+$0x1020 ss:$0x81] =	vst.msk $0xffff, v6;
	s18 =	sadd.s32 $0x80, s18  }
0x48: {  	s22 =	sadd.s32 $0x4, s22;
	v0 =	vld [tilespmem:s18+$0x30];
	[tilespmem:s19+$0x1830 ss:$0x81] =	vst.msk $0xffff, v7  }
0x49: {  	s21 =	sshra.s32 s21, $0x2;
	s28 =	sshll.u32 s7, $0xB;
	p1 =	sgt.s32 s10, $0x1F  }
0x4a: {  	s22 =	smov.u32 s10;
	s23 =	sshra.s32 s10, $0x1F;
	s24 =	sshll.u32 s9, $0x3  }
0x4b: {  	s26 =	smov.u32 s9;
	s27 =	sshra.s32 s9, $0x1F;
	s30 =	sshra.s32 s7, $0x1F  }
0x4c: {  	s20 =	sadd.s32 s21, s20;
	s22 =	simm.s32 @!p1 $0x1F;
	s23 =	sand.u32 s23, s10  }
0x4d: {  	s21 =	sand.u32 $0xFFFFC000, s28;
	s25 =	sand.u32 $0xFFFFFC00, s24;
	p1 =	sgt.s32 s7, $0x368  }
0x4e: {  	s29 =	sand.u32 s27, s9;
	s27 =	sshll.u32 s7, $0x7;
	s22 =	ssub.s32 s22, s23  }
0x4f: {  	s21 =	sadd.s32 s25, s21;
	s25 =	smov.u32 s7;
	s23 =	sadd.s32 $0xFFFFFFE1, s22  }
0x50: {  	s25 =	simm.s32 @!p1 $0x368;
	p1 =	sgt.s32 s9, $0x780;
	s21 =	sshrl.u32 s21, $0xB  }
0x51: {  	v5 =	vld [tilespmem:s18+$0xFFFFFFD0];
	[tilespmem:s19+$0x2040 ss:$0x81] =	vst.msk $0xffff, v4;
	s22 =	ssub.s32 $0x20, s22;
	s26 =	simm.s32 @!p1 $0x780;
	p1 =	sgt.s32 s23, $0x0  }
0x52: {  	v58 =	vld [tilespmem:s18+$0xFFFFFFE0];
	[tilespmem:s19+$0x2850 ss:$0x81] =	vst.msk $0xffff, v3;
	s28 =	smulhi.u32 $0x418938, s21;
	s23 =	ssub.s32 s26, s29;
	s26 =	sand.u32 s30, s7  }
0x53: {  	v59 =	vld [tilespmem:s18+$0xFFFFFFF0];
	[tilespmem:s19+$0x3060 ss:$0x81] =	vst.msk $0xffff, v2;
	s22 =	simm.s32 @p1 $0x0;
	s29 =	sand.u32 $0x78, s9;
	s30 =	sand.u32 $0x380, s27  }
0x54: {  	v60 =	vld [tilespmem:s18+$0x0];
	[tilespmem:s19+$0x0 ss:$0x81] =	vst.msk $0xffff, v1;
	s25 =	ssub.s32 s25, s26;
	s31 =	sadd.s32 $0xFFFFF880, s23;
	s23 =	ssub.s32 $0x800, s23  }
0x55: {  	v61 =	vld [tilespmem:s18+$0x10];
	[tilespmem:s20+$0x3870 ss:$0x81] =	vst.msk $0xffff, v0;
	s19 =	smul.u32 $0x3E8, s28;
	s28 =	sand.u32 $0x7, s9;
	p1 =	sgt.s32 s31, $0x7F  }
0x56: {  	v62 =	vld [tilespmem:s18+$0x20];
	[tilespmem:s20+$0x810 ss:$0x81] =	vst.msk $0xffff, v5;
	s26 =	sadd.s32 $0xFFFFFC98, s25;
	s31 =	sand.u32 $0x400, s24;
	s24 =	ssub.s32 $0x3E8, s25  }
0x57: {  	v63 =	vld [tilespmem:s18+$0xFFFFFFC0];
	[tilespmem:s20+$0x1020 ss:$0x81] =	vst.msk $0xffff, v58;
	s25 =	smul.u32 $0x3E800, s10;
	s23 =	simm.s32 @p1 $0x0;
	p1 =	sgt.s32 s26, $0x7F  }
0x58: {  	[tilespmem:s20+$0x1830 ss:$0x81] =	vst.msk $0xffff, v59;
	s18 =	sor.u32 s29, s31;
	s19 =	ssub.s32 s21, s19;
	s22 =	smul.u32 s22, s23  }
.Ltmp4:
0x59: {  	[tilespmem:s20+$0x2040 ss:$0x81] =	vst.msk $0xffff, v60;
	s24 =	simm.s32 @p1 $0x0;
	s18 =	sor.u32 s30, s18;
	(pc) =	sbr.rel .LBB1_5-.Ltmp4, $4  }
0x5a: {  	[tilespmem:s20+$0x2850 ss:$0x81] =	vst.msk $0xffff, v61;
	s27 =	sadd.s32 s2, s25;
	s18 =	sshrl.u32 s18, $0x3;
	s26 =	smul.u32 s24, s22  }
0x5b: {  	[tilespmem:s20+$0x3060 ss:$0x81] =	vst.msk $0xffff, v62;
	s29 =	sshll.u32 s28, $0x12;
	s19 =	sshll.u32 s19, $0x8;
	s18 =	sadd.s32 s18, s27  }
0x5c: {  	[tilespmem:s20+$0x0 ss:$0x81] =	vst.msk $0xffff, v63;
	s31 =	sor.u32 $0x400, s29;
	s18 =	sadd.s32 s19, s18;
	s30 =	sand.u32 $0x3FFFFFFF, s26  }
0x5d: {  	[hbm4b:s18+s31] =	stream.strided.scatter [tilespmem:s17], [sflag:$0x2], s30, s6, s31, $0x20;
	[tilespmem:$0x10100] =	vst v63  }
.LBB1_6:
0x5e: {  	_ =	sfence.sel $0x180000  }
0x5f: {  	s2 =	simm.s32 $0x1;
	[bflag:$0x0] =	sbarrier.arrive $0xFFFF  }
0x60: {  	s31 =	simm.s32 $0x2;
	[sflag:s2] =	ssyncpa.u1 $0x1  }
0x61: {  	[sflag:s31] =	ssyncpa.u1 $0x1  }
0x62: {  	p0 =	sne.s32 s1, $0x0;
	_ =	strace $0x90000047  }
0x63: {  	s0 =	sadd.s32 @!p0 $0x100000, s0;
	[bflag:$0x2] =	sbarrier.arrive $0xFFFF  }
0x64: {  	[sflag:s0] =	ssyncadd.tile.s32 @!p0 $0x1;
	_ =	shalt  }
.Lfunc_end1:
_tile_overlayer_lowered:
.L_overlay_start_2:
0x65: {  	(tag) =	ssettag $0x2  }
0x66: {  	s0 =	rddreg [dreg:$0x0];
	s2 =	stileid.u32  }
0x67: {  	s1 =	rddreg [dreg:$0x1];
	p0 =	sne.s32 s2, $0x0  }
0x68: {  	s3 =	rddreg [dreg:$0x2];
	[bflag:$0x3] =	sbarrier.arrive $0xFFFF;
	s2 =	simm.s32 @!p0 $0x1C01  }
0x69: {  	[timem:s3], [sflag:s2] =	dma.local @!p0 [hbm:s0], s1  }
0x6a: {  	s0 =	simm.s32 @!p0 $0x1  }
0x6b: {  	_ =	swait.ge @!p0 [sflag:s0], s1  }
0x6c: {  	s1 =	ssub.s32 @!p0 $0x0, s1;
	[sflag:s0] =	ssyncset.done @!p0 $0x0  }
0x6d: {  	[sflag:s0] =	ssyncadd.s32 @!p0 s1  }
0x6e: {  	[bflag:$0x3] =	sbarrier.arrive $0xFFFF  }
0x6f: {  	_ =	shalt  }

</sc_bundles>
